<compile_context>
chip_gen: v7x
topology: tpu7x:2x2x1
jax: 0.10.2.dev20260603
libtpu: 0.0.44.dev20260713+nightly
codegen_flags: <defaults>
</compile_context>

<pallas_src>
import jax
import jax.numpy as jnp
from jax import lax
from jax.experimental import pallas as pl
from jax.experimental.pallas import tpu as pltpu
from jax.experimental.pallas import tpu_sc as plsc

B, T, F = 4096, 200, 64
NC, NS, L = 2, 16, 16
NW = NC * NS
CPW = B // NW


def _sc_body(in_hbm, out_hbm, slab_v, sem0, sem1, osem):
    wid = lax.axis_index("s") * NC + lax.axis_index("c")
    base = wid * CPW
    H = F // 2

    cp0 = pltpu.async_copy(
        in_hbm.at[T - 1, pl.ds(0, H), pl.ds(base, CPW)], slab_v.at[pl.ds(0, H)], sem0
    )
    cp1 = pltpu.async_copy(
        in_hbm.at[T - 1, pl.ds(H, H), pl.ds(base, CPW)], slab_v.at[pl.ds(H, H)], sem1
    )

    table = lax.iota(jnp.int32, L)
    dnums = lax.GatherDimensionNumbers(
        offset_dims=(), collapsed_slice_dims=(0,), start_index_map=(0,)
    )

    def run_rows(lo, hi):
        @plsc.parallel_loop(lo, hi, 1, unroll=2)
        def _body(r):
            for j in range(CPW // L):
                idx = slab_v[r, pl.ds(j * L, L)]
                slab_v[r, pl.ds(j * L, L)] = lax.gather(
                    table, idx[:, None], dnums, slice_sizes=(1,),
                    mode=lax.GatherScatterMode.PROMISE_IN_BOUNDS,
                )

    cp0.wait()
    run_rows(0, H)
    ocp0 = pltpu.async_copy(
        slab_v.at[pl.ds(0, H)], out_hbm.at[pl.ds(0, H), pl.ds(base, CPW)], osem
    )
    cp1.wait()
    run_rows(H, F)
    ocp1 = pltpu.async_copy(
        slab_v.at[pl.ds(H, H)], out_hbm.at[pl.ds(H, H), pl.ds(base, CPW)], osem
    )
    ocp0.wait()
    ocp1.wait()


@jax.jit
def kernel(indices):
    tview = jnp.transpose(indices, (1, 2, 0))
    run = pl.kernel(
        _sc_body,
        out_type=jax.ShapeDtypeStruct((F, B), jnp.int32),
        mesh=plsc.VectorSubcoreMesh(core_axis_name="c", subcore_axis_name="s"),
        scratch_types=[
            pltpu.VMEM((F, CPW), jnp.int32),
            pltpu.SemaphoreType.DMA,
            pltpu.SemaphoreType.DMA,
            pltpu.SemaphoreType.DMA,
        ],
    )
    return jnp.transpose(run(tview))

# --- scband reference (transcript-rebuilt; emitter-appended) ---
"""Pipeline reference for scband-test-model-34333968564441 (READ-ONLY COPY).

The authoritative reference and input builder live on the scoring server;
editing this copy changes nothing except your own understanding.
"""

import jax, jax.numpy as jnp
import numpy as np


def setup_inputs(seed: int = 0) -> dict:
    key = jax.random.key(seed)
    indices = jax.random.randint(key, (4096, 200, 64), 0, 5, dtype=jnp.int32)
    return {"indices": indices}


def reference(indices):
    # Faithful translation of keras RNN(TestRNNCell):
    # each timestep: output = gather(range(5), indices_t); state passes through unchanged.
    # RNN default return_sequences=False -> last timestep's output.
    table = jnp.arange(5, dtype=jnp.int32)
    batch = indices.shape[0]
    state0 = jnp.zeros((batch, 20), dtype=jnp.float32)

    def step(state, idx_t):
        out = jnp.take(table, idx_t, axis=0)
        return state, out

    # scan over time axis: [B, T, F] -> [T, B, F]
    _, outs = jax.lax.scan(step, state0, jnp.transpose(indices, (1, 0, 2)))
    return outs[-1]

if __name__ == "__main__":
    import jax
    _d = setup_inputs()
    print(jax.jit(kernel)(*tuple(_d.values())))

</pallas_src>

<mosaic_0001>
#map = affine_map<(d0, d1) -> (0, 0, 0)>
#map1 = affine_map<(d0, d1) -> (0, 0)>
module attributes {stable_mosaic.version = 14 : i64} {
  func.func @_sc_body(%arg0: i32, %arg1: i32, %arg2: memref<200x64x4096xi32, #tpu.memory_space<hbm>>, %arg3: memref<64x4096xi32, #tpu.memory_space<hbm>>, %arg4: memref<64x128xi32, #tpu.memory_space<vmem>>, %arg5: memref<!tpu.dma_semaphore, #tpu.memory_space<semaphore_mem>>, %arg6: memref<!tpu.dma_semaphore, #tpu.memory_space<semaphore_mem>>, %arg7: memref<!tpu.dma_semaphore, #tpu.memory_space<semaphore_mem>>) attributes {dimension_semantics = [#tpu.dimension_semantics<core_parallel>, #tpu.dimension_semantics<subcore_parallel>], iteration_bounds = array<i64: 2, 16>, scalar_prefetch = 0 : i64, scratch_operands = 4 : i64, tpu.core_type = #tpu.core_type<sc_vector_subcore>, window_params = [{transform_indices = #map}, {transform_indices = #map1}]} {
    %mul3A = arith.constant 2 : i32
    %mul3A_0 = arith.muli %arg1, %mul3A : i32
    %add3A = arith.addi %mul3A_0, %arg0 : i32
    %mul3A_1 = arith.constant 128 : i32
    %mul3A_2 = arith.muli %add3A, %mul3A_1 : i32
    %dma_start3A = arith.constant 199 : i32
    %dma_start3A_3 = arith.constant 0 : i32
    %dma_start3A_4 = arith.constant 0 : i32
    %dma_start3A_5 = tpu.memref_slice %arg4[%dma_start3A_3, %dma_start3A_4] : memref<64x128xi32, #tpu.memory_space<vmem>> -> memref<32x128xi32, #tpu.memory_space<vmem>>
    %dma_start3A_6 = arith.constant 0 : i32
    %dma_start3A_7 = tpu.memref_slice %arg2[%dma_start3A, %dma_start3A_6, %mul3A_2] : memref<200x64x4096xi32, #tpu.memory_space<hbm>> -> memref<1x32x128xi32, #tpu.memory_space<hbm>>
    %dma_start3A_8 = tpu.memref_squeeze %dma_start3A_7 : memref<1x32x128xi32, #tpu.memory_space<hbm>> -> memref<32x128xi32, #tpu.memory_space<hbm>>
    %dma_start3A_9 = arith.constant 0 : i32
    %dma_start3A_10 = arith.constant 0 : i32
    %dma_start3A_11 = tpu.memref_slice %arg4[%dma_start3A_9, %dma_start3A_10] : memref<64x128xi32, #tpu.memory_space<vmem>> -> memref<32x128xi32, #tpu.memory_space<vmem>>
    %dma_start3A_12 = arith.constant 0 : i32
    %dma_start3A_13 = tpu.memref_slice %arg2[%dma_start3A, %dma_start3A_12, %mul3A_2] : memref<200x64x4096xi32, #tpu.memory_space<hbm>> -> memref<1x32x128xi32, #tpu.memory_space<hbm>>
    %dma_start3A_14 = tpu.memref_squeeze %dma_start3A_13 : memref<1x32x128xi32, #tpu.memory_space<hbm>> -> memref<32x128xi32, #tpu.memory_space<hbm>>
    tpu.enqueue_dma source(%dma_start3A_14 : memref<32x128xi32, #tpu.memory_space<hbm>>) target(%dma_start3A_11 : memref<32x128xi32, #tpu.memory_space<vmem>>) target_semaphore(%arg5 : memref<!tpu.dma_semaphore, #tpu.memory_space<semaphore_mem>>)
    %dma_start3A_15 = arith.constant 199 : i32
    %dma_start3A_16 = arith.constant 32 : i32
    %dma_start3A_17 = arith.constant 0 : i32
    %dma_start3A_18 = tpu.memref_slice %arg4[%dma_start3A_16, %dma_start3A_17] : memref<64x128xi32, #tpu.memory_space<vmem>> -> memref<32x128xi32, #tpu.memory_space<vmem>>
    %dma_start3A_19 = arith.constant 32 : i32
    %dma_start3A_20 = tpu.memref_slice %arg2[%dma_start3A_15, %dma_start3A_19, %mul3A_2] : memref<200x64x4096xi32, #tpu.memory_space<hbm>> -> memref<1x32x128xi32, #tpu.memory_space<hbm>>
    %dma_start3A_21 = tpu.memref_squeeze %dma_start3A_20 : memref<1x32x128xi32, #tpu.memory_space<hbm>> -> memref<32x128xi32, #tpu.memory_space<hbm>>
    %dma_start3A_22 = arith.constant 32 : i32
    %dma_start3A_23 = arith.constant 0 : i32
    %dma_start3A_24 = tpu.memref_slice %arg4[%dma_start3A_22, %dma_start3A_23] : memref<64x128xi32, #tpu.memory_space<vmem>> -> memref<32x128xi32, #tpu.memory_space<vmem>>
    %dma_start3A_25 = arith.constant 32 : i32
    %dma_start3A_26 = tpu.memref_slice %arg2[%dma_start3A_15, %dma_start3A_25, %mul3A_2] : memref<200x64x4096xi32, #tpu.memory_space<hbm>> -> memref<1x32x128xi32, #tpu.memory_space<hbm>>
    %dma_start3A_27 = tpu.memref_squeeze %dma_start3A_26 : memref<1x32x128xi32, #tpu.memory_space<hbm>> -> memref<32x128xi32, #tpu.memory_space<hbm>>
    tpu.enqueue_dma source(%dma_start3A_27 : memref<32x128xi32, #tpu.memory_space<hbm>>) target(%dma_start3A_24 : memref<32x128xi32, #tpu.memory_space<vmem>>) target_semaphore(%arg6 : memref<!tpu.dma_semaphore, #tpu.memory_space<semaphore_mem>>)
    %iota3A = tpu.iota {dimensions = array<i32: 0>} : vector<16xi32>
    %dma_wait3A = arith.constant 199 : i32
    %dma_wait3A_28 = arith.constant 0 : i32
    %dma_wait3A_29 = arith.constant 0 : i32
    %dma_wait3A_30 = tpu.memref_slice %arg4[%dma_wait3A_28, %dma_wait3A_29] : memref<64x128xi32, #tpu.memory_space<vmem>> -> memref<32x128xi32, #tpu.memory_space<vmem>>
    %dma_wait3A_31 = arith.constant 0 : i32
    %dma_wait3A_32 = tpu.memref_slice %arg2[%dma_wait3A, %dma_wait3A_31, %mul3A_2] : memref<200x64x4096xi32, #tpu.memory_space<hbm>> -> memref<1x32x128xi32, #tpu.memory_space<hbm>>
    %dma_wait3A_33 = tpu.memref_squeeze %dma_wait3A_32 : memref<1x32x128xi32, #tpu.memory_space<hbm>> -> memref<32x128xi32, #tpu.memory_space<hbm>>
    %dma_wait3A_34 = arith.constant 0 : i32
    %dma_wait3A_35 = arith.constant 0 : i32
    %dma_wait3A_36 = tpu.memref_slice %arg4[%dma_wait3A_34, %dma_wait3A_35] : memref<64x128xi32, #tpu.memory_space<vmem>> -> memref<32x128xi32, #tpu.memory_space<vmem>>
    %dma_wait3A_37 = arith.constant 0 : i32
    %dma_wait3A_38 = tpu.memref_slice %arg2[%dma_wait3A, %dma_wait3A_37, %mul3A_2] : memref<200x64x4096xi32, #tpu.memory_space<hbm>> -> memref<1x32x128xi32, #tpu.memory_space<hbm>>
    %dma_wait3A_39 = tpu.memref_squeeze %dma_wait3A_38 : memref<1x32x128xi32, #tpu.memory_space<hbm>> -> memref<32x128xi32, #tpu.memory_space<hbm>>
    tpu.wait_dma2 semaphore(%arg5 : memref<!tpu.dma_semaphore, #tpu.memory_space<semaphore_mem>>) src(%dma_wait3A_39 : memref<32x128xi32, #tpu.memory_space<hbm>>) dst(%dma_wait3A_36 : memref<32x128xi32, #tpu.memory_space<vmem>>)
    %parallel_loop3A = arith.constant 0 : i32
    %parallel_loop3A_40 = arith.constant 32 : i32
    %parallel_loop3A_41 = arith.constant 1 : i32
    scf.for %parallel_loop3A_98 = %parallel_loop3A to %parallel_loop3A_40 step %parallel_loop3A_41  : i32 {
      %parallel_loop3A_99 = arith.index_cast %parallel_loop3A_98 : i32 to index
      %parallel_loop3A_100 = arith.constant 0 : index
      %parallel_loop3A_101 = tpu.vector_load %arg4[%parallel_loop3A_99, %parallel_loop3A_100] {strides = array<i32>} : memref<64x128xi32, #tpu.memory_space<vmem>>, vector<1x16xi32>,
      %parallel_loop3A_102 = vector.shape_cast %parallel_loop3A_101 : vector<1x16xi32> to vector<16xi32>
      %parallel_loop3A_103 = vector.shape_cast %parallel_loop3A_102 : vector<16xi32> to vector<16x1xi32>
      %parallel_loop3A_104 = vector.shape_cast %parallel_loop3A_103 : vector<16x1xi32> to vector<16xi32>
      %parallel_loop3A_105 = tpu.dynamic_gather %iota3A[%parallel_loop3A_104] in [0] : vector<16xi32>, vector<16xi32> -> vector<16xi32>
      %parallel_loop3A_106 = arith.index_cast %parallel_loop3A_98 : i32 to index
      %parallel_loop3A_107 = arith.constant 0 : index
      %parallel_loop3A_108 = tpu.vector_load %arg4[%parallel_loop3A_106, %parallel_loop3A_107] {strides = array<i32>} : memref<64x128xi32, #tpu.memory_space<vmem>>, vector<1x16xi32>,
      %parallel_loop3A_109 = vector.shape_cast %parallel_loop3A_108 : vector<1x16xi32> to vector<16xi32>
      %parallel_loop3A_110 = vector.shape_cast %parallel_loop3A_105 : vector<16xi32> to vector<1x16xi32>
      tpu.vector_store %arg4[%parallel_loop3A_106, %parallel_loop3A_107], %parallel_loop3A_110 {strides = array<i32>} : memref<64x128xi32, #tpu.memory_space<vmem>>, vector<1x16xi32>,
      %parallel_loop3A_111 = arith.index_cast %parallel_loop3A_98 : i32 to index
      %parallel_loop3A_112 = arith.constant 16 : index
      %parallel_loop3A_113 = tpu.vector_load %arg4[%parallel_loop3A_111, %parallel_loop3A_112] {strides = array<i32>} : memref<64x128xi32, #tpu.memory_space<vmem>>, vector<1x16xi32>,
      %parallel_loop3A_114 = vector.shape_cast %parallel_loop3A_113 : vector<1x16xi32> to vector<16xi32>
      %parallel_loop3A_115 = vector.shape_cast %parallel_loop3A_114 : vector<16xi32> to vector<16x1xi32>
      %parallel_loop3A_116 = vector.shape_cast %parallel_loop3A_115 : vector<16x1xi32> to vector<16xi32>
      %parallel_loop3A_117 = tpu.dynamic_gather %iota3A[%parallel_loop3A_116] in [0] : vector<16xi32>, vector<16xi32> -> vector<16xi32>
      %parallel_loop3A_118 = arith.index_cast %parallel_loop3A_98 : i32 to index
      %parallel_loop3A_119 = arith.constant 16 : index
      %parallel_loop3A_120 = tpu.vector_load %arg4[%parallel_loop3A_118, %parallel_loop3A_119] {strides = array<i32>} : memref<64x128xi32, #tpu.memory_space<vmem>>, vector<1x16xi32>,
      %parallel_loop3A_121 = vector.shape_cast %parallel_loop3A_120 : vector<1x16xi32> to vector<16xi32>
      %parallel_loop3A_122 = vector.shape_cast %parallel_loop3A_117 : vector<16xi32> to vector<1x16xi32>
      tpu.vector_store %arg4[%parallel_loop3A_118, %parallel_loop3A_119], %parallel_loop3A_122 {strides = array<i32>} : memref<64x128xi32, #tpu.memory_space<vmem>>, vector<1x16xi32>,
      %parallel_loop3A_123 = arith.index_cast %parallel_loop3A_98 : i32 to index
      %parallel_loop3A_124 = arith.constant 32 : index
      %parallel_loop3A_125 = tpu.vector_load %arg4[%parallel_loop3A_123, %parallel_loop3A_124] {strides = array<i32>} : memref<64x128xi32, #tpu.memory_space<vmem>>, vector<1x16xi32>,
      %parallel_loop3A_126 = vector.shape_cast %parallel_loop3A_125 : vector<1x16xi32> to vector<16xi32>
      %parallel_loop3A_127 = vector.shape_cast %parallel_loop3A_126 : vector<16xi32> to vector<16x1xi32>
      %parallel_loop3A_128 = vector.shape_cast %parallel_loop3A_127 : vector<16x1xi32> to vector<16xi32>
      %parallel_loop3A_129 = tpu.dynamic_gather %iota3A[%parallel_loop3A_128] in [0] : vector<16xi32>, vector<16xi32> -> vector<16xi32>
      %parallel_loop3A_130 = arith.index_cast %parallel_loop3A_98 : i32 to index
      %parallel_loop3A_131 = arith.constant 32 : index
      %parallel_loop3A_132 = tpu.vector_load %arg4[%parallel_loop3A_130, %parallel_loop3A_131] {strides = array<i32>} : memref<64x128xi32, #tpu.memory_space<vmem>>, vector<1x16xi32>,
      %parallel_loop3A_133 = vector.shape_cast %parallel_loop3A_132 : vector<1x16xi32> to vector<16xi32>
      %parallel_loop3A_134 = vector.shape_cast %parallel_loop3A_129 : vector<16xi32> to vector<1x16xi32>
      tpu.vector_store %arg4[%parallel_loop3A_130, %parallel_loop3A_131], %parallel_loop3A_134 {strides = array<i32>} : memref<64x128xi32, #tpu.memory_space<vmem>>, vector<1x16xi32>,
      %parallel_loop3A_135 = arith.index_cast %parallel_loop3A_98 : i32 to index
      %parallel_loop3A_136 = arith.constant 48 : index
      %parallel_loop3A_137 = tpu.vector_load %arg4[%parallel_loop3A_135, %parallel_loop3A_136] {strides = array<i32>} : memref<64x128xi32, #tpu.memory_space<vmem>>, vector<1x16xi32>,
      %parallel_loop3A_138 = vector.shape_cast %parallel_loop3A_137 : vector<1x16xi32> to vector<16xi32>
      %parallel_loop3A_139 = vector.shape_cast %parallel_loop3A_138 : vector<16xi32> to vector<16x1xi32>
      %parallel_loop3A_140 = vector.shape_cast %parallel_loop3A_139 : vector<16x1xi32> to vector<16xi32>
      %parallel_loop3A_141 = tpu.dynamic_gather %iota3A[%parallel_loop3A_140] in [0] : vector<16xi32>, vector<16xi32> -> vector<16xi32>
      %parallel_loop3A_142 = arith.index_cast %parallel_loop3A_98 : i32 to index
      %parallel_loop3A_143 = arith.constant 48 : index
      %parallel_loop3A_144 = tpu.vector_load %arg4[%parallel_loop3A_142, %parallel_loop3A_143] {strides = array<i32>} : memref<64x128xi32, #tpu.memory_space<vmem>>, vector<1x16xi32>,
      %parallel_loop3A_145 = vector.shape_cast %parallel_loop3A_144 : vector<1x16xi32> to vector<16xi32>
      %parallel_loop3A_146 = vector.shape_cast %parallel_loop3A_141 : vector<16xi32> to vector<1x16xi32>
      tpu.vector_store %arg4[%parallel_loop3A_142, %parallel_loop3A_143], %parallel_loop3A_146 {strides = array<i32>} : memref<64x128xi32, #tpu.memory_space<vmem>>, vector<1x16xi32>,
      %parallel_loop3A_147 = arith.index_cast %parallel_loop3A_98 : i32 to index
      %parallel_loop3A_148 = arith.constant 64 : index
      %parallel_loop3A_149 = tpu.vector_load %arg4[%parallel_loop3A_147, %parallel_loop3A_148] {strides = array<i32>} : memref<64x128xi32, #tpu.memory_space<vmem>>, vector<1x16xi32>,
      %parallel_loop3A_150 = vector.shape_cast %parallel_loop3A_149 : vector<1x16xi32> to vector<16xi32>
      %parallel_loop3A_151 = vector.shape_cast %parallel_loop3A_150 : vector<16xi32> to vector<16x1xi32>
      %parallel_loop3A_152 = vector.shape_cast %parallel_loop3A_151 : vector<16x1xi32> to vector<16xi32>
      %parallel_loop3A_153 = tpu.dynamic_gather %iota3A[%parallel_loop3A_152] in [0] : vector<16xi32>, vector<16xi32> -> vector<16xi32>
      %parallel_loop3A_154 = arith.index_cast %parallel_loop3A_98 : i32 to index
      %parallel_loop3A_155 = arith.constant 64 : index
      %parallel_loop3A_156 = tpu.vector_load %arg4[%parallel_loop3A_154, %parallel_loop3A_155] {strides = array<i32>} : memref<64x128xi32, #tpu.memory_space<vmem>>, vector<1x16xi32>,
      %parallel_loop3A_157 = vector.shape_cast %parallel_loop3A_156 : vector<1x16xi32> to vector<16xi32>
      %parallel_loop3A_158 = vector.shape_cast %parallel_loop3A_153 : vector<16xi32> to vector<1x16xi32>
      tpu.vector_store %arg4[%parallel_loop3A_154, %parallel_loop3A_155], %parallel_loop3A_158 {strides = array<i32>} : memref<64x128xi32, #tpu.memory_space<vmem>>, vector<1x16xi32>,
      %parallel_loop3A_159 = arith.index_cast %parallel_loop3A_98 : i32 to index
      %parallel_loop3A_160 = arith.constant 80 : index
      %parallel_loop3A_161 = tpu.vector_load %arg4[%parallel_loop3A_159, %parallel_loop3A_160] {strides = array<i32>} : memref<64x128xi32, #tpu.memory_space<vmem>>, vector<1x16xi32>,
      %parallel_loop3A_162 = vector.shape_cast %parallel_loop3A_161 : vector<1x16xi32> to vector<16xi32>
      %parallel_loop3A_163 = vector.shape_cast %parallel_loop3A_162 : vector<16xi32> to vector<16x1xi32>
      %parallel_loop3A_164 = vector.shape_cast %parallel_loop3A_163 : vector<16x1xi32> to vector<16xi32>
      %parallel_loop3A_165 = tpu.dynamic_gather %iota3A[%parallel_loop3A_164] in [0] : vector<16xi32>, vector<16xi32> -> vector<16xi32>
      %parallel_loop3A_166 = arith.index_cast %parallel_loop3A_98 : i32 to index
      %parallel_loop3A_167 = arith.constant 80 : index
      %parallel_loop3A_168 = tpu.vector_load %arg4[%parallel_loop3A_166, %parallel_loop3A_167] {strides = array<i32>} : memref<64x128xi32, #tpu.memory_space<vmem>>, vector<1x16xi32>,
      %parallel_loop3A_169 = vector.shape_cast %parallel_loop3A_168 : vector<1x16xi32> to vector<16xi32>
      %parallel_loop3A_170 = vector.shape_cast %parallel_loop3A_165 : vector<16xi32> to vector<1x16xi32>
      tpu.vector_store %arg4[%parallel_loop3A_166, %parallel_loop3A_167], %parallel_loop3A_170 {strides = array<i32>} : memref<64x128xi32, #tpu.memory_space<vmem>>, vector<1x16xi32>,
      %parallel_loop3A_171 = arith.index_cast %parallel_loop3A_98 : i32 to index
      %parallel_loop3A_172 = arith.constant 96 : index
      %parallel_loop3A_173 = tpu.vector_load %arg4[%parallel_loop3A_171, %parallel_loop3A_172] {strides = array<i32>} : memref<64x128xi32, #tpu.memory_space<vmem>>, vector<1x16xi32>,
      %parallel_loop3A_174 = vector.shape_cast %parallel_loop3A_173 : vector<1x16xi32> to vector<16xi32>
      %parallel_loop3A_175 = vector.shape_cast %parallel_loop3A_174 : vector<16xi32> to vector<16x1xi32>
      %parallel_loop3A_176 = vector.shape_cast %parallel_loop3A_175 : vector<16x1xi32> to vector<16xi32>
      %parallel_loop3A_177 = tpu.dynamic_gather %iota3A[%parallel_loop3A_176] in [0] : vector<16xi32>, vector<16xi32> -> vector<16xi32>
      %parallel_loop3A_178 = arith.index_cast %parallel_loop3A_98 : i32 to index
      %parallel_loop3A_179 = arith.constant 96 : index
      %parallel_loop3A_180 = tpu.vector_load %arg4[%parallel_loop3A_178, %parallel_loop3A_179] {strides = array<i32>} : memref<64x128xi32, #tpu.memory_space<vmem>>, vector<1x16xi32>,
      %parallel_loop3A_181 = vector.shape_cast %parallel_loop3A_180 : vector<1x16xi32> to vector<16xi32>
      %parallel_loop3A_182 = vector.shape_cast %parallel_loop3A_177 : vector<16xi32> to vector<1x16xi32>
      tpu.vector_store %arg4[%parallel_loop3A_178, %parallel_loop3A_179], %parallel_loop3A_182 {strides = array<i32>} : memref<64x128xi32, #tpu.memory_space<vmem>>, vector<1x16xi32>,
      %parallel_loop3A_183 = arith.index_cast %parallel_loop3A_98 : i32 to index
      %parallel_loop3A_184 = arith.constant 112 : index
      %parallel_loop3A_185 = tpu.vector_load %arg4[%parallel_loop3A_183, %parallel_loop3A_184] {strides = array<i32>} : memref<64x128xi32, #tpu.memory_space<vmem>>, vector<1x16xi32>,
      %parallel_loop3A_186 = vector.shape_cast %parallel_loop3A_185 : vector<1x16xi32> to vector<16xi32>
      %parallel_loop3A_187 = vector.shape_cast %parallel_loop3A_186 : vector<16xi32> to vector<16x1xi32>
      %parallel_loop3A_188 = vector.shape_cast %parallel_loop3A_187 : vector<16x1xi32> to vector<16xi32>
      %parallel_loop3A_189 = tpu.dynamic_gather %iota3A[%parallel_loop3A_188] in [0] : vector<16xi32>, vector<16xi32> -> vector<16xi32>
      %parallel_loop3A_190 = arith.index_cast %parallel_loop3A_98 : i32 to index
      %parallel_loop3A_191 = arith.constant 112 : index
      %parallel_loop3A_192 = tpu.vector_load %arg4[%parallel_loop3A_190, %parallel_loop3A_191] {strides = array<i32>} : memref<64x128xi32, #tpu.memory_space<vmem>>, vector<1x16xi32>,
      %parallel_loop3A_193 = vector.shape_cast %parallel_loop3A_192 : vector<1x16xi32> to vector<16xi32>
      %parallel_loop3A_194 = vector.shape_cast %parallel_loop3A_189 : vector<16xi32> to vector<1x16xi32>
      tpu.vector_store %arg4[%parallel_loop3A_190, %parallel_loop3A_191], %parallel_loop3A_194 {strides = array<i32>} : memref<64x128xi32, #tpu.memory_space<vmem>>, vector<1x16xi32>,
    } {sc.loop_unroll_factor = 2 : i64, sc.parallel_access}
    %dma_start3A_42 = arith.constant 0 : i32
    %dma_start3A_43 = arith.constant 0 : i32
    %dma_start3A_44 = tpu.memref_slice %arg4[%dma_start3A_42, %dma_start3A_43] : memref<64x128xi32, #tpu.memory_space<vmem>> -> memref<32x128xi32, #tpu.memory_space<vmem>>
    %dma_start3A_45 = arith.constant 0 : i32
    %dma_start3A_46 = tpu.memref_slice %arg3[%dma_start3A_45, %mul3A_2] : memref<64x4096xi32, #tpu.memory_space<hbm>> -> memref<32x128xi32, #tpu.memory_space<hbm>>
    %dma_start3A_47 = arith.constant 0 : i32
    %dma_start3A_48 = tpu.memref_slice %arg3[%dma_start3A_47, %mul3A_2] : memref<64x4096xi32, #tpu.memory_space<hbm>> -> memref<32x128xi32, #tpu.memory_space<hbm>>
    %dma_start3A_49 = arith.constant 0 : i32
    %dma_start3A_50 = arith.constant 0 : i32
    %dma_start3A_51 = tpu.memref_slice %arg4[%dma_start3A_49, %dma_start3A_50] : memref<64x128xi32, #tpu.memory_space<vmem>> -> memref<32x128xi32, #tpu.memory_space<vmem>>
    tpu.enqueue_dma source(%dma_start3A_51 : memref<32x128xi32, #tpu.memory_space<vmem>>) target(%dma_start3A_48 : memref<32x128xi32, #tpu.memory_space<hbm>>) target_semaphore(%arg7 : memref<!tpu.dma_semaphore, #tpu.memory_space<semaphore_mem>>)
    %dma_wait3A_52 = arith.constant 199 : i32
    %dma_wait3A_53 = arith.constant 32 : i32
    %dma_wait3A_54 = arith.constant 0 : i32
    %dma_wait3A_55 = tpu.memref_slice %arg4[%dma_wait3A_53, %dma_wait3A_54] : memref<64x128xi32, #tpu.memory_space<vmem>> -> memref<32x128xi32, #tpu.memory_space<vmem>>
    %dma_wait3A_56 = arith.constant 32 : i32
    %dma_wait3A_57 = tpu.memref_slice %arg2[%dma_wait3A_52, %dma_wait3A_56, %mul3A_2] : memref<200x64x4096xi32, #tpu.memory_space<hbm>> -> memref<1x32x128xi32, #tpu.memory_space<hbm>>
    %dma_wait3A_58 = tpu.memref_squeeze %dma_wait3A_57 : memref<1x32x128xi32, #tpu.memory_space<hbm>> -> memref<32x128xi32, #tpu.memory_space<hbm>>
    %dma_wait3A_59 = arith.constant 32 : i32
    %dma_wait3A_60 = arith.constant 0 : i32
    %dma_wait3A_61 = tpu.memref_slice %arg4[%dma_wait3A_59, %dma_wait3A_60] : memref<64x128xi32, #tpu.memory_space<vmem>> -> memref<32x128xi32, #tpu.memory_space<vmem>>
    %dma_wait3A_62 = arith.constant 32 : i32
    %dma_wait3A_63 = tpu.memref_slice %arg2[%dma_wait3A_52, %dma_wait3A_62, %mul3A_2] : memref<200x64x4096xi32, #tpu.memory_space<hbm>> -> memref<1x32x128xi32, #tpu.memory_space<hbm>>
    %dma_wait3A_64 = tpu.memref_squeeze %dma_wait3A_63 : memref<1x32x128xi32, #tpu.memory_space<hbm>> -> memref<32x128xi32, #tpu.memory_space<hbm>>
    tpu.wait_dma2 semaphore(%arg6 : memref<!tpu.dma_semaphore, #tpu.memory_space<semaphore_mem>>) src(%dma_wait3A_64 : memref<32x128xi32, #tpu.memory_space<hbm>>) dst(%dma_wait3A_61 : memref<32x128xi32, #tpu.memory_space<vmem>>)
    %parallel_loop3A_65 = arith.constant 32 : i32
    %parallel_loop3A_66 = arith.constant 64 : i32
    %parallel_loop3A_67 = arith.constant 1 : i32
    scf.for %parallel_loop3A_98 = %parallel_loop3A_65 to %parallel_loop3A_66 step %parallel_loop3A_67  : i32 {
      %parallel_loop3A_99 = arith.index_cast %parallel_loop3A_98 : i32 to index
      %parallel_loop3A_100 = arith.constant 0 : index
      %parallel_loop3A_101 = tpu.vector_load %arg4[%parallel_loop3A_99, %parallel_loop3A_100] {strides = array<i32>} : memref<64x128xi32, #tpu.memory_space<vmem>>, vector<1x16xi32>,
      %parallel_loop3A_102 = vector.shape_cast %parallel_loop3A_101 : vector<1x16xi32> to vector<16xi32>
      %parallel_loop3A_103 = vector.shape_cast %parallel_loop3A_102 : vector<16xi32> to vector<16x1xi32>
      %parallel_loop3A_104 = vector.shape_cast %parallel_loop3A_103 : vector<16x1xi32> to vector<16xi32>
      %parallel_loop3A_105 = tpu.dynamic_gather %iota3A[%parallel_loop3A_104] in [0] : vector<16xi32>, vector<16xi32> -> vector<16xi32>
      %parallel_loop3A_106 = arith.index_cast %parallel_loop3A_98 : i32 to index
      %parallel_loop3A_107 = arith.constant 0 : index
      %parallel_loop3A_108 = tpu.vector_load %arg4[%parallel_loop3A_106, %parallel_loop3A_107] {strides = array<i32>} : memref<64x128xi32, #tpu.memory_space<vmem>>, vector<1x16xi32>,
      %parallel_loop3A_109 = vector.shape_cast %parallel_loop3A_108 : vector<1x16xi32> to vector<16xi32>
      %parallel_loop3A_110 = vector.shape_cast %parallel_loop3A_105 : vector<16xi32> to vector<1x16xi32>
      tpu.vector_store %arg4[%parallel_loop3A_106, %parallel_loop3A_107], %parallel_loop3A_110 {strides = array<i32>} : memref<64x128xi32, #tpu.memory_space<vmem>>, vector<1x16xi32>,
      %parallel_loop3A_111 = arith.index_cast %parallel_loop3A_98 : i32 to index
      %parallel_loop3A_112 = arith.constant 16 : index
      %parallel_loop3A_113 = tpu.vector_load %arg4[%parallel_loop3A_111, %parallel_loop3A_112] {strides = array<i32>} : memref<64x128xi32, #tpu.memory_space<vmem>>, vector<1x16xi32>,
      %parallel_loop3A_114 = vector.shape_cast %parallel_loop3A_113 : vector<1x16xi32> to vector<16xi32>
      %parallel_loop3A_115 = vector.shape_cast %parallel_loop3A_114 : vector<16xi32> to vector<16x1xi32>
      %parallel_loop3A_116 = vector.shape_cast %parallel_loop3A_115 : vector<16x1xi32> to vector<16xi32>
      %parallel_loop3A_117 = tpu.dynamic_gather %iota3A[%parallel_loop3A_116] in [0] : vector<16xi32>, vector<16xi32> -> vector<16xi32>
      %parallel_loop3A_118 = arith.index_cast %parallel_loop3A_98 : i32 to index
      %parallel_loop3A_119 = arith.constant 16 : index
      %parallel_loop3A_120 = tpu.vector_load %arg4[%parallel_loop3A_118, %parallel_loop3A_119] {strides = array<i32>} : memref<64x128xi32, #tpu.memory_space<vmem>>, vector<1x16xi32>,
      %parallel_loop3A_121 = vector.shape_cast %parallel_loop3A_120 : vector<1x16xi32> to vector<16xi32>
      %parallel_loop3A_122 = vector.shape_cast %parallel_loop3A_117 : vector<16xi32> to vector<1x16xi32>
      tpu.vector_store %arg4[%parallel_loop3A_118, %parallel_loop3A_119], %parallel_loop3A_122 {strides = array<i32>} : memref<64x128xi32, #tpu.memory_space<vmem>>, vector<1x16xi32>,
      %parallel_loop3A_123 = arith.index_cast %parallel_loop3A_98 : i32 to index
      %parallel_loop3A_124 = arith.constant 32 : index
      %parallel_loop3A_125 = tpu.vector_load %arg4[%parallel_loop3A_123, %parallel_loop3A_124] {strides = array<i32>} : memref<64x128xi32, #tpu.memory_space<vmem>>, vector<1x16xi32>,
      %parallel_loop3A_126 = vector.shape_cast %parallel_loop3A_125 : vector<1x16xi32> to vector<16xi32>
      %parallel_loop3A_127 = vector.shape_cast %parallel_loop3A_126 : vector<16xi32> to vector<16x1xi32>
      %parallel_loop3A_128 = vector.shape_cast %parallel_loop3A_127 : vector<16x1xi32> to vector<16xi32>
      %parallel_loop3A_129 = tpu.dynamic_gather %iota3A[%parallel_loop3A_128] in [0] : vector<16xi32>, vector<16xi32> -> vector<16xi32>
      %parallel_loop3A_130 = arith.index_cast %parallel_loop3A_98 : i32 to index
      %parallel_loop3A_131 = arith.constant 32 : index
      %parallel_loop3A_132 = tpu.vector_load %arg4[%parallel_loop3A_130, %parallel_loop3A_131] {strides = array<i32>} : memref<64x128xi32, #tpu.memory_space<vmem>>, vector<1x16xi32>,
      %parallel_loop3A_133 = vector.shape_cast %parallel_loop3A_132 : vector<1x16xi32> to vector<16xi32>
      %parallel_loop3A_134 = vector.shape_cast %parallel_loop3A_129 : vector<16xi32> to vector<1x16xi32>
      tpu.vector_store %arg4[%parallel_loop3A_130, %parallel_loop3A_131], %parallel_loop3A_134 {strides = array<i32>} : memref<64x128xi32, #tpu.memory_space<vmem>>, vector<1x16xi32>,
      %parallel_loop3A_135 = arith.index_cast %parallel_loop3A_98 : i32 to index
      %parallel_loop3A_136 = arith.constant 48 : index
      %parallel_loop3A_137 = tpu.vector_load %arg4[%parallel_loop3A_135, %parallel_loop3A_136] {strides = array<i32>} : memref<64x128xi32, #tpu.memory_space<vmem>>, vector<1x16xi32>,
      %parallel_loop3A_138 = vector.shape_cast %parallel_loop3A_137 : vector<1x16xi32> to vector<16xi32>
      %parallel_loop3A_139 = vector.shape_cast %parallel_loop3A_138 : vector<16xi32> to vector<16x1xi32>
      %parallel_loop3A_140 = vector.shape_cast %parallel_loop3A_139 : vector<16x1xi32> to vector<16xi32>
      %parallel_loop3A_141 = tpu.dynamic_gather %iota3A[%parallel_loop3A_140] in [0] : vector<16xi32>, vector<16xi32> -> vector<16xi32>
      %parallel_loop3A_142 = arith.index_cast %parallel_loop3A_98 : i32 to index
      %parallel_loop3A_143 = arith.constant 48 : index
      %parallel_loop3A_144 = tpu.vector_load %arg4[%parallel_loop3A_142, %parallel_loop3A_143] {strides = array<i32>} : memref<64x128xi32, #tpu.memory_space<vmem>>, vector<1x16xi32>,
      %parallel_loop3A_145 = vector.shape_cast %parallel_loop3A_144 : vector<1x16xi32> to vector<16xi32>
      %parallel_loop3A_146 = vector.shape_cast %parallel_loop3A_141 : vector<16xi32> to vector<1x16xi32>
      tpu.vector_store %arg4[%parallel_loop3A_142, %parallel_loop3A_143], %parallel_loop3A_146 {strides = array<i32>} : memref<64x128xi32, #tpu.memory_space<vmem>>, vector<1x16xi32>,
      %parallel_loop3A_147 = arith.index_cast %parallel_loop3A_98 : i32 to index
      %parallel_loop3A_148 = arith.constant 64 : index
      %parallel_loop3A_149 = tpu.vector_load %arg4[%parallel_loop3A_147, %parallel_loop3A_148] {strides = array<i32>} : memref<64x128xi32, #tpu.memory_space<vmem>>, vector<1x16xi32>,
      %parallel_loop3A_150 = vector.shape_cast %parallel_loop3A_149 : vector<1x16xi32> to vector<16xi32>
      %parallel_loop3A_151 = vector.shape_cast %parallel_loop3A_150 : vector<16xi32> to vector<16x1xi32>
      %parallel_loop3A_152 = vector.shape_cast %parallel_loop3A_151 : vector<16x1xi32> to vector<16xi32>
      %parallel_loop3A_153 = tpu.dynamic_gather %iota3A[%parallel_loop3A_152] in [0] : vector<16xi32>, vector<16xi32> -> vector<16xi32>
      %parallel_loop3A_154 = arith.index_cast %parallel_loop3A_98 : i32 to index
      %parallel_loop3A_155 = arith.constant 64 : index
      %parallel_loop3A_156 = tpu.vector_load %arg4[%parallel_loop3A_154, %parallel_loop3A_155] {strides = array<i32>} : memref<64x128xi32, #tpu.memory_space<vmem>>, vector<1x16xi32>,
      %parallel_loop3A_157 = vector.shape_cast %parallel_loop3A_156 : vector<1x16xi32> to vector<16xi32>
      %parallel_loop3A_158 = vector.shape_cast %parallel_loop3A_153 : vector<16xi32> to vector<1x16xi32>
      tpu.vector_store %arg4[%parallel_loop3A_154, %parallel_loop3A_155], %parallel_loop3A_158 {strides = array<i32>} : memref<64x128xi32, #tpu.memory_space<vmem>>, vector<1x16xi32>,
      %parallel_loop3A_159 = arith.index_cast %parallel_loop3A_98 : i32 to index
      %parallel_loop3A_160 = arith.constant 80 : index
      %parallel_loop3A_161 = tpu.vector_load %arg4[%parallel_loop3A_159, %parallel_loop3A_160] {strides = array<i32>} : memref<64x128xi32, #tpu.memory_space<vmem>>, vector<1x16xi32>,
      %parallel_loop3A_162 = vector.shape_cast %parallel_loop3A_161 : vector<1x16xi32> to vector<16xi32>
      %parallel_loop3A_163 = vector.shape_cast %parallel_loop3A_162 : vector<16xi32> to vector<16x1xi32>
      %parallel_loop3A_164 = vector.shape_cast %parallel_loop3A_163 : vector<16x1xi32> to vector<16xi32>
      %parallel_loop3A_165 = tpu.dynamic_gather %iota3A[%parallel_loop3A_164] in [0] : vector<16xi32>, vector<16xi32> -> vector<16xi32>
      %parallel_loop3A_166 = arith.index_cast %parallel_loop3A_98 : i32 to index
      %parallel_loop3A_167 = arith.constant 80 : index
      %parallel_loop3A_168 = tpu.vector_load %arg4[%parallel_loop3A_166, %parallel_loop3A_167] {strides = array<i32>} : memref<64x128xi32, #tpu.memory_space<vmem>>, vector<1x16xi32>,
      %parallel_loop3A_169 = vector.shape_cast %parallel_loop3A_168 : vector<1x16xi32> to vector<16xi32>
      %parallel_loop3A_170 = vector.shape_cast %parallel_loop3A_165 : vector<16xi32> to vector<1x16xi32>
      tpu.vector_store %arg4[%parallel_loop3A_166, %parallel_loop3A_167], %parallel_loop3A_170 {strides = array<i32>} : memref<64x128xi32, #tpu.memory_space<vmem>>, vector<1x16xi32>,
      %parallel_loop3A_171 = arith.index_cast %parallel_loop3A_98 : i32 to index
      %parallel_loop3A_172 = arith.constant 96 : index
      %parallel_loop3A_173 = tpu.vector_load %arg4[%parallel_loop3A_171, %parallel_loop3A_172] {strides = array<i32>} : memref<64x128xi32, #tpu.memory_space<vmem>>, vector<1x16xi32>,
      %parallel_loop3A_174 = vector.shape_cast %parallel_loop3A_173 : vector<1x16xi32> to vector<16xi32>
      %parallel_loop3A_175 = vector.shape_cast %parallel_loop3A_174 : vector<16xi32> to vector<16x1xi32>
      %parallel_loop3A_176 = vector.shape_cast %parallel_loop3A_175 : vector<16x1xi32> to vector<16xi32>
      %parallel_loop3A_177 = tpu.dynamic_gather %iota3A[%parallel_loop3A_176] in [0] : vector<16xi32>, vector<16xi32> -> vector<16xi32>
      %parallel_loop3A_178 = arith.index_cast %parallel_loop3A_98 : i32 to index
      %parallel_loop3A_179 = arith.constant 96 : index
      %parallel_loop3A_180 = tpu.vector_load %arg4[%parallel_loop3A_178, %parallel_loop3A_179] {strides = array<i32>} : memref<64x128xi32, #tpu.memory_space<vmem>>, vector<1x16xi32>,
      %parallel_loop3A_181 = vector.shape_cast %parallel_loop3A_180 : vector<1x16xi32> to vector<16xi32>
      %parallel_loop3A_182 = vector.shape_cast %parallel_loop3A_177 : vector<16xi32> to vector<1x16xi32>
      tpu.vector_store %arg4[%parallel_loop3A_178, %parallel_loop3A_179], %parallel_loop3A_182 {strides = array<i32>} : memref<64x128xi32, #tpu.memory_space<vmem>>, vector<1x16xi32>,
      %parallel_loop3A_183 = arith.index_cast %parallel_loop3A_98 : i32 to index
      %parallel_loop3A_184 = arith.constant 112 : index
      %parallel_loop3A_185 = tpu.vector_load %arg4[%parallel_loop3A_183, %parallel_loop3A_184] {strides = array<i32>} : memref<64x128xi32, #tpu.memory_space<vmem>>, vector<1x16xi32>,
      %parallel_loop3A_186 = vector.shape_cast %parallel_loop3A_185 : vector<1x16xi32> to vector<16xi32>
      %parallel_loop3A_187 = vector.shape_cast %parallel_loop3A_186 : vector<16xi32> to vector<16x1xi32>
      %parallel_loop3A_188 = vector.shape_cast %parallel_loop3A_187 : vector<16x1xi32> to vector<16xi32>
      %parallel_loop3A_189 = tpu.dynamic_gather %iota3A[%parallel_loop3A_188] in [0] : vector<16xi32>, vector<16xi32> -> vector<16xi32>
      %parallel_loop3A_190 = arith.index_cast %parallel_loop3A_98 : i32 to index
      %parallel_loop3A_191 = arith.constant 112 : index
      %parallel_loop3A_192 = tpu.vector_load %arg4[%parallel_loop3A_190, %parallel_loop3A_191] {strides = array<i32>} : memref<64x128xi32, #tpu.memory_space<vmem>>, vector<1x16xi32>,
      %parallel_loop3A_193 = vector.shape_cast %parallel_loop3A_192 : vector<1x16xi32> to vector<16xi32>
      %parallel_loop3A_194 = vector.shape_cast %parallel_loop3A_189 : vector<16xi32> to vector<1x16xi32>
      tpu.vector_store %arg4[%parallel_loop3A_190, %parallel_loop3A_191], %parallel_loop3A_194 {strides = array<i32>} : memref<64x128xi32, #tpu.memory_space<vmem>>, vector<1x16xi32>,
    } {sc.loop_unroll_factor = 2 : i64, sc.parallel_access}
    %dma_start3A_68 = arith.constant 32 : i32
    %dma_start3A_69 = arith.constant 0 : i32
    %dma_start3A_70 = tpu.memref_slice %arg4[%dma_start3A_68, %dma_start3A_69] : memref<64x128xi32, #tpu.memory_space<vmem>> -> memref<32x128xi32, #tpu.memory_space<vmem>>
    %dma_start3A_71 = arith.constant 32 : i32
    %dma_start3A_72 = tpu.memref_slice %arg3[%dma_start3A_71, %mul3A_2] : memref<64x4096xi32, #tpu.memory_space<hbm>> -> memref<32x128xi32, #tpu.memory_space<hbm>>
    %dma_start3A_73 = arith.constant 32 : i32
    %dma_start3A_74 = tpu.memref_slice %arg3[%dma_start3A_73, %mul3A_2] : memref<64x4096xi32, #tpu.memory_space<hbm>> -> memref<32x128xi32, #tpu.memory_space<hbm>>
    %dma_start3A_75 = arith.constant 32 : i32
    %dma_start3A_76 = arith.constant 0 : i32
    %dma_start3A_77 = tpu.memref_slice %arg4[%dma_start3A_75, %dma_start3A_76] : memref<64x128xi32, #tpu.memory_space<vmem>> -> memref<32x128xi32, #tpu.memory_space<vmem>>
    tpu.enqueue_dma source(%dma_start3A_77 : memref<32x128xi32, #tpu.memory_space<vmem>>) target(%dma_start3A_74 : memref<32x128xi32, #tpu.memory_space<hbm>>) target_semaphore(%arg7 : memref<!tpu.dma_semaphore, #tpu.memory_space<semaphore_mem>>)
    %dma_wait3A_78 = arith.constant 0 : i32
    %dma_wait3A_79 = arith.constant 0 : i32
    %dma_wait3A_80 = tpu.memref_slice %arg4[%dma_wait3A_78, %dma_wait3A_79] : memref<64x128xi32, #tpu.memory_space<vmem>> -> memref<32x128xi32, #tpu.memory_space<vmem>>
    %dma_wait3A_81 = arith.constant 0 : i32
    %dma_wait3A_82 = tpu.memref_slice %arg3[%dma_wait3A_81, %mul3A_2] : memref<64x4096xi32, #tpu.memory_space<hbm>> -> memref<32x128xi32, #tpu.memory_space<hbm>>
    %dma_wait3A_83 = arith.constant 0 : i32
    %dma_wait3A_84 = tpu.memref_slice %arg3[%dma_wait3A_83, %mul3A_2] : memref<64x4096xi32, #tpu.memory_space<hbm>> -> memref<32x128xi32, #tpu.memory_space<hbm>>
    %dma_wait3A_85 = arith.constant 0 : i32
    %dma_wait3A_86 = arith.constant 0 : i32
    %dma_wait3A_87 = tpu.memref_slice %arg4[%dma_wait3A_85, %dma_wait3A_86] : memref<64x128xi32, #tpu.memory_space<vmem>> -> memref<32x128xi32, #tpu.memory_space<vmem>>
    tpu.wait_dma2 semaphore(%arg7 : memref<!tpu.dma_semaphore, #tpu.memory_space<semaphore_mem>>) src(%dma_wait3A_87 : memref<32x128xi32, #tpu.memory_space<vmem>>) dst(%dma_wait3A_84 : memref<32x128xi32, #tpu.memory_space<hbm>>)
    %dma_wait3A_88 = arith.constant 32 : i32
    %dma_wait3A_89 = arith.constant 0 : i32
    %dma_wait3A_90 = tpu.memref_slice %arg4[%dma_wait3A_88, %dma_wait3A_89] : memref<64x128xi32, #tpu.memory_space<vmem>> -> memref<32x128xi32, #tpu.memory_space<vmem>>
    %dma_wait3A_91 = arith.constant 32 : i32
    %dma_wait3A_92 = tpu.memref_slice %arg3[%dma_wait3A_91, %mul3A_2] : memref<64x4096xi32, #tpu.memory_space<hbm>> -> memref<32x128xi32, #tpu.memory_space<hbm>>
    %dma_wait3A_93 = arith.constant 32 : i32
    %dma_wait3A_94 = tpu.memref_slice %arg3[%dma_wait3A_93, %mul3A_2] : memref<64x4096xi32, #tpu.memory_space<hbm>> -> memref<32x128xi32, #tpu.memory_space<hbm>>
    %dma_wait3A_95 = arith.constant 32 : i32
    %dma_wait3A_96 = arith.constant 0 : i32
    %dma_wait3A_97 = tpu.memref_slice %arg4[%dma_wait3A_95, %dma_wait3A_96] : memref<64x128xi32, #tpu.memory_space<vmem>> -> memref<32x128xi32, #tpu.memory_space<vmem>>
    tpu.wait_dma2 semaphore(%arg7 : memref<!tpu.dma_semaphore, #tpu.memory_space<semaphore_mem>>) src(%dma_wait3A_97 : memref<32x128xi32, #tpu.memory_space<vmem>>) dst(%dma_wait3A_94 : memref<32x128xi32, #tpu.memory_space<hbm>>)
    return
  }
}

</mosaic_0001>

<sc_bundles>
// kernel: kernel.3.cloned.1.call-start
scs
__scs_entry_jumppad:
0x0: {  	(pc) =	sbr.rel $0x88, $3  }
0x1: {  	(tag) =	ssettag $0x0;
	lr =	simm.s32 $0x1  }
0x2: {  	[smem:$0x3FA0] =	sst lr;
	_ =	strace $0xD0000000  }
0x3: {  	_ = 	snop  }
0x4: {  	_ = 	snop  }
0x5: {  	_ = 	snop  }
0x6: {  	_ = 	snop  }
0x7: {  	_ = 	snop  }
__scs_overlays_trampoline_lowered:
0x8: {  	[smem:$0x3FAF] =	sst s0  }
0x9: {  	[smem:$0x3FB0] =	sst s1  }
0xa: {  	[smem:$0x3FB1] =	sst s2  }
0xb: {  	[smem:$0x3FB2] =	sst s3  }
0xc: {  	[smem:$0x3FB3] =	sst s4  }
0xd: {  	[smem:$0x3FB4] =	sst s5  }
0xe: {  	[smem:$0x3FB5] =	sst s6  }
0xf: {  	[smem:$0x3FB6] =	sst s7  }
0x10: {  	[smem:$0x3FB7] =	sst s8  }
0x11: {  	[smem:$0x3FB8] =	sst s9;
	s0 =	simm.s32 @!p0 $0x0  }
0x12: {  	s1 =	sld [smem:$0x3F9E];
	s0 =	simm.s32 @p0 $0x1  }
0x13: {  	[smem:$0x3FB9] =	sst s0;
	s0 =	simm.s32 @!p1 $0x0  }
0x14: {  	s2 =	sld [smem:$0x3F9D];
	s0 =	simm.s32 @p1 $0x1  }
0x15: {  	[smem:$0x3FBA] =	sst s0;
	s0 =	simm.s32 @!p2 $0x0  }
0x16: {  	s3 =	sld [smem:$0x3FDB];
	s0 =	simm.s32 @p2 $0x1  }
0x17: {  	s4 =	simm.s32 $0x1BF5;
	[smem:$0x3FBC] =	sst s0  }
0x18: {  	s0 =	sld [smem:$0x3F9F];
	_ =	swait.ge [sflag:s4], $0x0  }
0x19: {  	s7 =	sld [smem:$0x3FA0]  }
0x1a: {  	s8 =	sadd.s32 $0xFFFFE003, lr  }
0x1b: {  	s9 =	sadd.s32 $0xFFFFFEF7, lr;
	s5 =	simm.s32 $0xFFFFFFFF;
	p2 =	slt.u32 s8, $0xFFFFF086  }
0x1c: {  	p1 =	slt.u32 s9, $0xF7A;
	s5 =	simm.s32 @!p2 $0x0  }
0x1d: {  	s5 =	simm.s32 @p1 $0x1;
	p0 =	seq.s32 s7, s2  }
0x1e: {  	s7 =	smul.u32 @!p0 $0xF7A, s2;
	p2 =	seq.s32 @!p0 s5, $0x0  }
0x1f: {  	s9 =	smul.u32 $0xF7A, s1;
	s8 =	simm.s32 @!p0 $0x1BF5;
	p2 =	por !p2, p0  }
0x20: {  	[sflag:s8] =	ssyncset.s32 @!p0 $0xFFFFF086;
	s6 =	sadd.s32 @!p0 s3, s7;
	s7 =	simm.s32 @!p0 $0x108  }
0x21: {  	s3 =	sadd.s32 s3, s9;
	s6 =	sadd.s32 @!p0 $0x88, s6;
	s7 =	simm.s32 @p2 $0x1082  }
0x22: {  	[simem:s7], [sflag:s8] =	dma.local @!p0 [hbm:s6], $0xF7A  }
0x23: {  	s9 =	sor.u32 $0xD0000000, s2;
	s6 =	simm.s32 $0x108;
	_ =	swait.ge @!p0 [sflag:s8], $0x0  }
0x24: {  	s3 =	sadd.s32 $0x88, s3;
	s6 =	simm.s32 @!p1 $0x1082;
	[sflag:s4] =	ssyncset.s32 $0xFFFFF086  }
0x25: {  	[simem:s6], [sflag:s4] =	dma.local [hbm:s3], $0xF7A  }
0x26: {  	[smem:$0x3FA0] =	sst s1;
	(tag) =	ssettag s2;
	_ =	strace s9  }
0x27: {  	s1 =	sld [smem:$0x3FB0]  }
0x28: {  	s2 =	sld [smem:$0x3FB1]  }
0x29: {  	s4 =	sld [smem:$0x3FB3]  }
0x2a: {  	p0 =	seq.s32 s5, $0x0;
	s5 =	sld [smem:$0x3FB4]  }
0x2b: {  	s6 =	sld [smem:$0x3FB5]  }
0x2c: {  	s7 =	sld [smem:$0x3FB6]  }
0x2d: {  	s3 =	simm.s32 $0x108;
	s8 =	sld [smem:$0x3FB7]  }
0x2e: {  	s3 =	simm.s32 @!p0 $0x1082;
	s9 =	sld [smem:$0x3FB8]  }
0x2f: {  	lr =	sadd.s32 s0, s3;
	s0 =	sld [smem:$0x3FAF]  }
0x30: {  	s3 =	sld [smem:$0x3FB2]  }
0x31: {  	[smem:$0x3FBB] =	sst s10  }
0x32: {  	s10 =	sld [smem:$0x3FB9];
	_ =	sdelay $0x3  }
0x33: {  	p0 =	seq.s32 s10, $0x1;
	s10 =	sld [smem:$0x3FBB];
	_ =	sdelay $0x3  }
0x34: {  	[smem:$0x3FBB] =	sst s10  }
0x35: {  	s10 =	sld [smem:$0x3FBA];
	_ =	sdelay $0x3  }
0x36: {  	p1 =	seq.s32 s10, $0x1;
	s10 =	sld [smem:$0x3FBB];
	_ =	sdelay $0x3  }
0x37: {  	[smem:$0x3FBB] =	sst s10  }
0x38: {  	s10 =	sld [smem:$0x3FBC]  }
0x39: {  	_ = 	snop;
	(pc) =	sbr.ind lr, $3  }
0x3a: {  	_ = 	snop  }
0x3b: {  	_ = 	snop  }
0x3c: {  	p2 =	seq.s32 s10, $0x1;
	s10 =	sld [smem:$0x3FBB]  }
0x3d: {  	_ =	shalt  }
0x3e: {  	_ =	shalt  }
0x3f: {  	_ =	shalt  }
0x40: {  	_ =	shalt  }
0x41: {  	_ =	shalt  }
0x42: {  	_ =	shalt  }
0x43: {  	_ =	shalt  }
0x44: {  	_ =	shalt  }
0x45: {  	_ =	shalt  }
0x46: {  	_ =	shalt  }
0x47: {  	_ =	shalt  }
0x48: {  	_ =	shalt  }
0x49: {  	_ =	shalt  }
0x4a: {  	_ =	shalt  }
0x4b: {  	_ =	shalt  }
0x4c: {  	_ =	shalt  }
0x4d: {  	_ =	shalt  }
0x4e: {  	_ =	shalt  }
0x4f: {  	_ =	shalt  }
0x50: {  	_ =	shalt  }
0x51: {  	_ =	shalt  }
0x52: {  	_ =	shalt  }
0x53: {  	_ =	shalt  }
0x54: {  	_ =	shalt  }
0x55: {  	_ =	shalt  }
0x56: {  	_ =	shalt  }
0x57: {  	_ =	shalt  }
0x58: {  	_ =	shalt  }
0x59: {  	_ =	shalt  }
0x5a: {  	_ =	shalt  }
0x5b: {  	_ =	shalt  }
0x5c: {  	_ =	shalt  }
0x5d: {  	_ =	shalt  }
0x5e: {  	_ =	shalt  }
0x5f: {  	_ =	shalt  }
0x60: {  	_ =	shalt  }
0x61: {  	_ =	shalt  }
0x62: {  	_ =	shalt  }
0x63: {  	_ =	shalt  }
0x64: {  	_ =	shalt  }
0x65: {  	_ =	shalt  }
0x66: {  	_ =	shalt  }
0x67: {  	_ =	shalt  }
0x68: {  	_ =	shalt  }
0x69: {  	_ =	shalt  }
0x6a: {  	_ =	shalt  }
0x6b: {  	_ =	shalt  }
0x6c: {  	_ =	shalt  }
0x6d: {  	_ =	shalt  }
0x6e: {  	_ =	shalt  }
0x6f: {  	_ =	shalt  }
0x70: {  	_ =	shalt  }
0x71: {  	_ =	shalt  }
0x72: {  	_ =	shalt  }
0x73: {  	_ =	shalt  }
0x74: {  	_ =	shalt  }
0x75: {  	_ =	shalt  }
0x76: {  	_ =	shalt  }
0x77: {  	_ =	shalt  }
0x78: {  	_ =	shalt  }
0x79: {  	_ =	shalt  }
0x7a: {  	_ =	shalt  }
0x7b: {  	_ =	shalt  }
0x7c: {  	_ =	shalt  }
0x7d: {  	_ =	shalt  }
0x7e: {  	_ =	shalt  }
0x7f: {  	_ =	shalt  }
0x80: {  	_ =	shalt  }
0x81: {  	_ =	shalt  }
0x82: {  	_ =	shalt  }
0x83: {  	_ =	shalt  }
0x84: {  	_ =	shalt  }
0x85: {  	_ =	shalt  }
0x86: {  	_ =	shalt  }
0x87: {  	_ =	shalt  }
.Lfunc_end0:
.L_simem_size_0:
called_computation_lowered:
.L_overlay_start_0:
0x88: {  	s2 =	sld [smem:$0x3FD9]  }
0x89: {  	s3 =	sld [smem:$0x3FFE];
	_ =	sdelay $0x1  }
0x8a: {  	s1 =	srdreg.scid  }
0x8b: {  	s0 =	sand.u32 $0x1, s1  }
0x8c: {  	s18 =	sshll.u32 s0, $0xA;
	s2 =	sadd.s32 s3, s2  }
0x8d: {  	s2 =	sadd.s32 s2, s18  }
0x8e: {  	[smem:$0x3FC7] =	sst s2  }
0x8f: {  	_ = 	snop  }
0x90: {  	s2 =	sld [smem:$0x3FC9]  }
0x91: {  	s19 =	sld [smem:$0x3FD0];
	(tm) =	ssettm $0x1  }
0x92: {  	s4 =	sld [smem:$0x3FFB];
	_ =	sdelay $0x3  }
0x93: {  	_ =	strace s4  }
0x94: {  	s4 =	sld [smem:$0x3FFC];
	_ =	sdelay $0x3  }
0x95: {  	_ =	strace s4  }
0x96: {  	s4 =	sld [smem:$0x3FFD];
	_ =	sdelay $0x3  }
0x97: {  	_ =	strace s4  }
0x98: {  	_ =	strace $0x8FFFFFFF  }
0x99: {  	s20 =	sld [smem:$0x3FDB];
	_ =	sdelay $0x1  }
0x9a: {  	s5 =	simm.s32 $_scs_section_size  }
0x9b: {  	s6 =	simm.s32 $_size__tile_overlayer_lowered;
	s7 =	simm.s32 $_tile_overlayer_lowered  }
0x9c: {  	s23 =	simm.s32 $0x1BFF;
	s22 =	sshll.u32 s7, $0x1;
	s4 =	sadd.s32 s5, s20  }
0x9d: {  	s8 =	simm.s32 $0x0;
	s21 =	sshll.u32 s6, $0x1;
	s6 =	sadd.s32 s22, s4  }
0x9e: {  	[timem:s8], [sflag:s23] =	dma.local [hbm:s6], s21  }
0x9f: {  	_ =	swait.ge [sflag:s23], s21  }
0xa0: {  	s5 =	ssub.s32 $0x0, s21;
	[sflag:s23] =	ssyncset.done $0x0  }
0xa1: {  	[sflag:s23] =	ssyncadd.s32 s5;
	_ =	sdelay $0x1  }
0xa2: {  	s24 =	simm.s32 $0x1B8B  }
0xa3: {  	_ =	swait.ge [sflag:s24], $0x1  }
0xa4: {  	[sflag:s24] =	ssyncset.done $0x0  }
0xa5: {  	s25 =	simm.s32 $0x1B8E;
	[sflag:s24] =	ssyncadd.s32 $0xFFFFFFFF  }
0xa6: {  	s26 =	simm.s32 $execute0_lowered;
	[smem:$0x3FD2] =	sst s25  }
0xa7: {  	s5 =	sshll.u32 s26, $0x1;
	_ =	strace $0x80000046;
	[dreg:$0x1] =	wrdreg $0xFFFFFFFF  }
0xa8: {  	s28 =	simm.s32 $_size_execute0_lowered;
	s4 =	sadd.s32 s4, s5;
	[dreg:$0x0] =	wrdreg $0x0  }
0xa9: {  	s5 =	sshll.u32 s28, $0x1;
	[dreg:$0x2] =	wrdreg s4  }
0xaa: {  	[dreg:$0x3] =	wrdreg s5  }
0xab: {  	[dreg:$0x4] =	wrdreg $0xC0  }
0xac: {  	_ =	task [dreg:s8], $0x5FFFF  }
0xad: {  	[dreg:$0x1] =	wrdreg $0xFFFFFFFF  }
0xae: {  	[dreg:$0x0] =	wrdreg $0x60  }
0xaf: {  	[dreg:$0x2] =	wrdreg s2  }
0xb0: {  	[dreg:$0x3] =	wrdreg s19  }
0xb1: {  	[dreg:$0x4] =	wrdreg $0x9  }
0xb2: {  	_ =	task.clear_ibuf [dreg:s8], $0x5FFFF;
	_ =	strace $0x90000046  }
0xb3: {  	s29 =	simm.s32 $0x9;
	_ =	strace $0x80000048  }
0xb4: {  	_ =	swait.ge [sflag:s29], $0x1  }
0xb5: {  	[sflag:s29] =	ssyncadd.s32 $0xFFFFFFFF  }
0xb6: {  	_ =	strace $0x90000048  }
0xb7: {  	_ =	sfence  }
0xb8: {  	s30 =	sld [smem:$0x0];
	_ =	sdelay $0x2  }
0xb9: {  	s31 =	sshll.u32 s1, $0xD;
	s1 =	sshrl.u32 s1, $0x2  }
0xba: {  	s3 =	sand.u32 $0x4000, s31;
	s1 =	sadd.s32 s1, s30  }
0xbb: {  	s0 =	sor.u32 s3, s0;
	s1 =	sshll.u32 s1, $0x11  }
0xbc: {  	s0 =	sor.u32 s1, s0  }
0xbd: {  	s0 =	sadd.s32 $0x8F2B, s0  }
0xbe: {  	[sflag:s0] =	ssyncadd.remote.s32 $0x1  }
0xbf: {  	_ =	sfence.sel $0xFFFF  }
0xc0: {  	[dreg:$0x0] =	wrdreg $0xFFFFFFFF;
	(pc) =	sbr.abs _section_cstart, $3  }
0xc1: {  	[dreg:$0x1] =	wrdreg $0xFFFFFFFF  }
0xc2: {  	_ =	task.clear_ibuf [dreg:s8], $0x2FFFF;
	_ =	strace $0x9FFFFFFF  }
0xc3: {  	(tm) =	ssettm $0x7FFFFFFF  }
tec
execute0_lowered:
.L_overlay_start_1:
0x0: {  	(tag) =	ssettag $0x1  }
0x1: {  	s3 =	rddreg [dreg:$0x0]  }
0x2: {  	s5 =	rddreg [dreg:$0x1]  }
0x3: {  	s0 =	rddreg [dreg:$0x2];
	s4 =	srdreg.scid  }
0x4: {  	s2 =	simm.s32 $0x0;
	s1 =	stileid.u32;
	s9 =	simm.s32 $0x8000  }
0x5: {  	s10 =	simm.s32 $0x1000;
	s11 =	simm.s32 $0x1;
	s12 =	simm.s32 $0x2  }
0x6: {  	s13 =	simm.s32 $0x3;
	s14 =	simm.s32 $0x0;
	s4 =	sand.u32 $0x1, s4  }
0x7: {  	s7 =	sshll.u32 s1, $0x8;
	s6 =	ssub.s32 $0x2, s4;
	s4 =	sshll.u32 s4, $0x7  }
0x8: {  	[smem:$0x7FF] =	sst s2;
	s8 =	sshrl.u32 s6, $0x1;
	s7 =	sor.u32 s4, s7  }
0x9: {  	_ =	strace $0x80000047;
	s8 =	ssub.s32 s6, s8;
	s4 =	sadd.s32 s7, s3  }
0xa: {  	s5 =	sadd.s32 s5, s7;
	s3 =	sadd.s32 $0x638000, s4;
	s4 =	sadd.s32 $0x63C000, s4  }
0xb: {  	v0 =	vlaneseq.u32;
	s6 =	sadd.s32 $0x4000, s5;
	s7 =	smax.u32 s8, $0x1;
	s8 =	simm.s32 $0x400  }
.LBB2_1:
0xc: {  	[tilespmem:s2], [sflag:$0x1] =	stream.strided.gather [hbm4b:s3+s8], $0x1000, s9, s8, $0x38;
	[tilespmem:$0x2000] =	vst v63  }
0xd: {  	_ = 	snop  }
0xe: {  	[tilespmem:s10], [sflag:$0x2] =	stream.strided.gather [hbm4b:s4+s8], $0x1000, s9, s8, $0x38;
	[tilespmem:$0x2000] =	vst v63  }
0xf: {  	_ =	swait.ge [sflag:s11], $0x1000  }
0x10: {  	[sflag:s11] =	ssyncset.done $0x0  }
0x11: {  	s15 =	simm.s32 $0x80;
	[sflag:s11] =	ssyncadd.s32 $0xFFFFF000  }
0x12: {  	v1 =	vld [tilespmem:s15+$0x70]  }
0x13: {  	v2 =	vld [tilespmem:s15+$0xFFFFFF90]  }
0x14: {  	v3 =	vld [tilespmem:s15+$0xFFFFFFA0]  }
0x15: {  	v4 =	vld [tilespmem:s15+$0xFFFFFFB0]  }
0x16: {  	v5 =	vld [tilespmem:s15+$0xFFFFFFC0]  }
0x17: {  	v6 =	vld [tilespmem:s15+$0xFFFFFFD0];
	v1 =	vperm.xlane v0, v1  }
0x18: {  	v7 =	vld [tilespmem:s15+$0xFFFFFFE0];
	v2 =	vperm.xlane v0, v2  }
0x19: {  	v8 =	vld [tilespmem:s15+$0xFFFFFFF0];
	v3 =	vperm.xlane v0, v3;
	[tilespmem:s15+$0x70] =	vst v1  }
0x1a: {  	[tilespmem:s15+$0xFFFFFF90] =	vst v2;
	v1 =	vperm.xlane v0, v4;
	v4 =	vld [tilespmem:s15+$0x0]  }
0x1b: {  	[tilespmem:s15+$0xFFFFFFA0] =	vst v3;
	v2 =	vperm.xlane v0, v5;
	v5 =	vld [tilespmem:s15+$0x10]  }
0x1c: {  	v9 =	vld [tilespmem:s15+$0x20];
	v3 =	vperm.xlane v0, v6;
	[tilespmem:s15+$0xFFFFFFB0] =	vst v1  }
0x1d: {  	v6 =	vperm.xlane v0, v7;
	[tilespmem:s15+$0xFFFFFFC0] =	vst v2;
	v1 =	vld [tilespmem:s15+$0x30]  }
0x1e: {  	v7 =	vperm.xlane v0, v8;
	[tilespmem:s15+$0xFFFFFFD0] =	vst v3;
	v2 =	vld [tilespmem:s15+$0x40]  }
0x1f: {  	[tilespmem:s15+$0xFFFFFFE0] =	vst v6;
	v3 =	vld [tilespmem:s15+$0x50];
	v8 =	vperm.xlane v0, v4  }
0x20: {  	[tilespmem:s15+$0xFFFFFFF0] =	vst v7;
	v4 =	vld [tilespmem:s15+$0x60];
	v6 =	vperm.xlane v0, v5  }
0x21: {  	s16 =	simm.s32 $0x0;
	s17 =	simm.s32 $0x180;
	v7 =	vperm.xlane v0, v9;
	v5 =	vld [tilespmem:s15+$0xFFFFFF80];
	[tilespmem:s15+$0x0] =	vst v8  }
.LBB2_2:
0x22: {  	v8 =	vld [tilespmem:s17+$0x70];
	s16 =	sadd.s32 $0x2, s16;
	[tilespmem:s15+$0x10] =	vst v6;
	v1 =	vperm.xlane v0, v1  }
0x23: {  	v6 =	vld [tilespmem:s17+$0xFFFFFF90];
	p0 =	slt.u32 s16, $0x1E;
	[tilespmem:s15+$0x20] =	vst v7;
	v2 =	vperm.xlane v0, v2  }
0x24: {  	v7 =	vld [tilespmem:s17+$0xFFFFFFA0];
	[tilespmem:s15+$0x30] =	vst v1;
	v1 =	vperm.xlane v0, v3  }
0x25: {  	v3 =	vld [tilespmem:s17+$0xFFFFFFB0];
	[tilespmem:s15+$0x40] =	vst v2;
	v2 =	vperm.xlane v0, v4  }
0x26: {  	v4 =	vld [tilespmem:s17+$0xFFFFFFC0];
	v5 =	vperm.xlane v0, v5;
	[tilespmem:s15+$0x50] =	vst v1  }
0x27: {  	v1 =	vld [tilespmem:s17+$0xFFFFFFD0];
	v8 =	vperm.xlane v0, v8;
	[tilespmem:s15+$0x60] =	vst v2  }
0x28: {  	v2 =	vperm.xlane v0, v6;
	v6 =	vld [tilespmem:s17+$0xFFFFFFE0];
	[tilespmem:s15+$0xFFFFFF80] =	vst v5;
	s15 =	smov.u32 s17  }
0x29: {  	v5 =	vperm.xlane v0, v7;
	v7 =	vld [tilespmem:s17+$0xFFFFFFF0];
	[tilespmem:s17+$0x70] =	vst v8  }
0x2a: {  	[tilespmem:s17+$0xFFFFFF90] =	vst v2;
	v2 =	vperm.xlane v0, v3;
	v3 =	vld [tilespmem:s17+$0x0]  }
0x2b: {  	[tilespmem:s17+$0xFFFFFFA0] =	vst v5;
	v4 =	vperm.xlane v0, v4;
	v5 =	vld [tilespmem:s17+$0x10]  }
0x2c: {  	[tilespmem:s17+$0xFFFFFFB0] =	vst v2;
	v2 =	vperm.xlane v0, v1;
	v8 =	vld [tilespmem:s17+$0x20]  }
.Ltmp0:
0x2d: {  	[tilespmem:s17+$0xFFFFFFC0] =	vst v4;
	v4 =	vperm.xlane v0, v6;
	v1 =	vld [tilespmem:s17+$0x30];
	(pc) =	sbr.rel @p0 .LBB2_2-.Ltmp0, $4  }
0x2e: {  	[tilespmem:s17+$0xFFFFFFD0] =	vst v2;
	v6 =	vperm.xlane v0, v7;
	v2 =	vld [tilespmem:s17+$0x40]  }
0x2f: {  	[tilespmem:s17+$0xFFFFFFE0] =	vst v4;
	v7 =	vperm.xlane v0, v3;
	v3 =	vld [tilespmem:s17+$0x50]  }
0x30: {  	[tilespmem:s17+$0xFFFFFFF0] =	vst v6;
	v6 =	vperm.xlane v0, v5;
	v4 =	vld [tilespmem:s17+$0x60]  }
0x31: {  	s17 =	sadd.s32 $0x100, s17;
	v5 =	vld [tilespmem:s15+$0xFFFFFF80];
	[tilespmem:s15+$0x0] =	vst v7;
	v7 =	vperm.xlane v0, v8  }
0x32: {  	[tilespmem:s15+$0x10] =	vst v6;
	v1 =	vperm.xlane v0, v1  }
0x33: {  	[tilespmem:s15+$0x20] =	vst v7;
	v2 =	vperm.xlane v0, v2  }
0x34: {  	[tilespmem:s15+$0x30] =	vst v1;
	v1 =	vperm.xlane v0, v3  }
0x35: {  	[tilespmem:s15+$0x40] =	vst v2;
	v2 =	vperm.xlane v0, v4  }
0x36: {  	v3 =	vperm.xlane v0, v5;
	[tilespmem:s15+$0x50] =	vst v1  }
0x37: {  	[tilespmem:s15+$0x60] =	vst v2  }
0x38: {  	[tilespmem:s15+$0xFFFFFF80] =	vst v3  }
0x39: {  	[hbm4b:s5+s8] =	stream.strided.scatter [tilespmem:s2], [sflag:$0x3], $0x1000, s9, s8, $0x38;
	[tilespmem:$0x2000] =	vst v63  }
0x3a: {  	_ =	swait.ge [sflag:s12], $0x1000  }
0x3b: {  	[sflag:s12] =	ssyncset.done $0x0  }
0x3c: {  	s15 =	simm.s32 $0x10F0;
	[sflag:s12] =	ssyncadd.s32 $0xFFFFF000  }
0x3d: {  	v1 =	vld [tilespmem:s15+$0x0]  }
0x3e: {  	v2 =	vld [tilespmem:s15+$0xFFFFFF20]  }
0x3f: {  	v3 =	vld [tilespmem:s15+$0xFFFFFF30]  }
0x40: {  	v4 =	vld [tilespmem:s15+$0xFFFFFF40]  }
0x41: {  	v5 =	vld [tilespmem:s15+$0xFFFFFF50]  }
0x42: {  	v6 =	vld [tilespmem:s15+$0xFFFFFF60];
	v1 =	vperm.xlane v0, v1  }
0x43: {  	v7 =	vld [tilespmem:s15+$0xFFFFFF70];
	v2 =	vperm.xlane v0, v2  }
0x44: {  	v8 =	vld [tilespmem:s15+$0xFFFFFF80];
	v3 =	vperm.xlane v0, v3;
	[tilespmem:s15+$0x0] =	vst v1  }
0x45: {  	[tilespmem:s15+$0xFFFFFF20] =	vst v2;
	v1 =	vperm.xlane v0, v4;
	v4 =	vld [tilespmem:s15+$0xFFFFFF90]  }
0x46: {  	[tilespmem:s15+$0xFFFFFF30] =	vst v3;
	v2 =	vperm.xlane v0, v5;
	v5 =	vld [tilespmem:s15+$0xFFFFFFA0]  }
0x47: {  	v9 =	vld [tilespmem:s15+$0xFFFFFFB0];
	v3 =	vperm.xlane v0, v6;
	[tilespmem:s15+$0xFFFFFF40] =	vst v1  }
0x48: {  	v6 =	vperm.xlane v0, v7;
	[tilespmem:s15+$0xFFFFFF50] =	vst v2;
	v1 =	vld [tilespmem:s15+$0xFFFFFFC0]  }
0x49: {  	v7 =	vperm.xlane v0, v8;
	[tilespmem:s15+$0xFFFFFF60] =	vst v3;
	v2 =	vld [tilespmem:s15+$0xFFFFFFD0]  }
0x4a: {  	[tilespmem:s15+$0xFFFFFF70] =	vst v6;
	v3 =	vld [tilespmem:s15+$0xFFFFFFE0];
	v8 =	vperm.xlane v0, v4  }
0x4b: {  	[tilespmem:s15+$0xFFFFFF80] =	vst v7;
	v4 =	vld [tilespmem:s15+$0xFFFFFFF0];
	v6 =	vperm.xlane v0, v5  }
0x4c: {  	s16 =	simm.s32 $0x20;
	s17 =	simm.s32 $0x11F0;
	v7 =	vperm.xlane v0, v9;
	v5 =	vld [tilespmem:s15+$0xFFFFFF10];
	[tilespmem:s15+$0xFFFFFF90] =	vst v8  }
.LBB2_4:
0x4d: {  	v8 =	vld [tilespmem:s17+$0x0];
	s16 =	sadd.s32 $0x2, s16;
	[tilespmem:s15+$0xFFFFFFA0] =	vst v6;
	v1 =	vperm.xlane v0, v1  }
0x4e: {  	v6 =	vld [tilespmem:s17+$0xFFFFFF20];
	p0 =	slt.u32 s16, $0x3E;
	[tilespmem:s15+$0xFFFFFFB0] =	vst v7;
	v2 =	vperm.xlane v0, v2  }
0x4f: {  	v7 =	vld [tilespmem:s17+$0xFFFFFF30];
	[tilespmem:s15+$0xFFFFFFC0] =	vst v1;
	v1 =	vperm.xlane v0, v3  }
0x50: {  	v3 =	vld [tilespmem:s17+$0xFFFFFF40];
	[tilespmem:s15+$0xFFFFFFD0] =	vst v2;
	v2 =	vperm.xlane v0, v4  }
0x51: {  	v4 =	vld [tilespmem:s17+$0xFFFFFF50];
	v5 =	vperm.xlane v0, v5;
	[tilespmem:s15+$0xFFFFFFE0] =	vst v1  }
0x52: {  	v1 =	vld [tilespmem:s17+$0xFFFFFF60];
	v8 =	vperm.xlane v0, v8;
	[tilespmem:s15+$0xFFFFFFF0] =	vst v2  }
0x53: {  	v2 =	vperm.xlane v0, v6;
	v6 =	vld [tilespmem:s17+$0xFFFFFF70];
	[tilespmem:s15+$0xFFFFFF10] =	vst v5;
	s15 =	smov.u32 s17  }
0x54: {  	v5 =	vperm.xlane v0, v7;
	v7 =	vld [tilespmem:s17+$0xFFFFFF80];
	[tilespmem:s17+$0x0] =	vst v8  }
0x55: {  	[tilespmem:s17+$0xFFFFFF20] =	vst v2;
	v2 =	vperm.xlane v0, v3;
	v3 =	vld [tilespmem:s17+$0xFFFFFF90]  }
0x56: {  	[tilespmem:s17+$0xFFFFFF30] =	vst v5;
	v4 =	vperm.xlane v0, v4;
	v5 =	vld [tilespmem:s17+$0xFFFFFFA0]  }
0x57: {  	[tilespmem:s17+$0xFFFFFF40] =	vst v2;
	v2 =	vperm.xlane v0, v1;
	v8 =	vld [tilespmem:s17+$0xFFFFFFB0]  }
.Ltmp1:
0x58: {  	[tilespmem:s17+$0xFFFFFF50] =	vst v4;
	v4 =	vperm.xlane v0, v6;
	v1 =	vld [tilespmem:s17+$0xFFFFFFC0];
	(pc) =	sbr.rel @p0 .LBB2_4-.Ltmp1, $4  }
0x59: {  	[tilespmem:s17+$0xFFFFFF60] =	vst v2;
	v6 =	vperm.xlane v0, v7;
	v2 =	vld [tilespmem:s17+$0xFFFFFFD0]  }
0x5a: {  	[tilespmem:s17+$0xFFFFFF70] =	vst v4;
	v7 =	vperm.xlane v0, v3;
	v3 =	vld [tilespmem:s17+$0xFFFFFFE0]  }
0x5b: {  	[tilespmem:s17+$0xFFFFFF80] =	vst v6;
	v6 =	vperm.xlane v0, v5;
	v4 =	vld [tilespmem:s17+$0xFFFFFFF0]  }
0x5c: {  	s17 =	sadd.s32 $0x100, s17;
	v5 =	vld [tilespmem:s15+$0xFFFFFF10];
	[tilespmem:s15+$0xFFFFFF90] =	vst v7;
	v7 =	vperm.xlane v0, v8  }
0x5d: {  	[tilespmem:s15+$0xFFFFFFA0] =	vst v6;
	v1 =	vperm.xlane v0, v1  }
0x5e: {  	[tilespmem:s15+$0xFFFFFFB0] =	vst v7;
	v2 =	vperm.xlane v0, v2  }
0x5f: {  	[tilespmem:s15+$0xFFFFFFC0] =	vst v1;
	v1 =	vperm.xlane v0, v3  }
0x60: {  	[tilespmem:s15+$0xFFFFFFD0] =	vst v2;
	v2 =	vperm.xlane v0, v4  }
0x61: {  	v3 =	vperm.xlane v0, v5;
	[tilespmem:s15+$0xFFFFFFE0] =	vst v1  }
0x62: {  	[tilespmem:s15+$0xFFFFFFF0] =	vst v2  }
0x63: {  	s14 =	sadd.s32 $0x1, s14;
	[tilespmem:s15+$0xFFFFFF10] =	vst v3  }
0x64: {  	[hbm4b:s6+s8] =	stream.strided.scatter [tilespmem:s10], [sflag:$0x3], $0x1000, s9, s8, $0x38;
	[tilespmem:$0x2000] =	vst v63  }
0x65: {  	p0 =	sne.s32 s14, s7;
	_ =	swait.ge [sflag:s13], $0x1000  }
.Ltmp2:
0x66: {  	[sflag:s13] =	ssyncset.done $0x0;
	(pc) =	sbr.rel @p0 .LBB2_1-.Ltmp2, $4  }
0x67: {  	[sflag:s13] =	ssyncadd.s32 $0xFFFFF000  }
0x68: {  	_ =	swait.ge [sflag:s13], $0x1000  }
0x69: {  	[sflag:s13] =	ssyncset.done $0x0  }
0x6a: {  	[sflag:s13] =	ssyncadd.s32 $0xFFFFF000  }
0x6b: {  	_ =	sfence.sel $0x180000  }
0x6c: {  	[bflag:$0x0] =	sbarrier.arrive $0xFFFF  }
0x6d: {  	p0 =	sne.s32 s1, $0x0;
	_ =	strace $0x90000047  }
0x6e: {  	s0 =	sadd.s32 @!p0 $0x100000, s0;
	[bflag:$0x2] =	sbarrier.arrive $0xFFFF  }
0x6f: {  	[sflag:s0] =	ssyncadd.tile.s32 @!p0 $0x1;
	_ =	shalt  }
.Lfunc_end2:
_tile_overlayer_lowered:
.L_overlay_start_2:
0x70: {  	(tag) =	ssettag $0x2  }
0x71: {  	s0 =	rddreg [dreg:$0x0];
	s2 =	stileid.u32  }
0x72: {  	s1 =	rddreg [dreg:$0x1];
	p0 =	sne.s32 s2, $0x0  }
0x73: {  	s3 =	rddreg [dreg:$0x2];
	[bflag:$0x3] =	sbarrier.arrive $0xFFFF;
	s2 =	simm.s32 @!p0 $0x1C04  }
0x74: {  	[timem:s3], [sflag:s2] =	dma.local @!p0 [hbm:s0], s1  }
0x75: {  	s0 =	simm.s32 @!p0 $0x4  }
0x76: {  	_ =	swait.ge @!p0 [sflag:s0], s1  }
0x77: {  	s1 =	ssub.s32 @!p0 $0x0, s1;
	[sflag:s0] =	ssyncset.done @!p0 $0x0  }
0x78: {  	[sflag:s0] =	ssyncadd.s32 @!p0 s1  }
0x79: {  	[bflag:$0x3] =	sbarrier.arrive $0xFFFF  }
0x7a: {  	_ =	shalt  }

</sc_bundles>
